<compile_context>
chip_gen: v7x
topology: tpu7x:2x2x1
jax: 0.10.2.dev20260603
libtpu: 0.0.44.dev20260713+nightly
codegen_flags: <defaults>
</compile_context>

<pallas_src>
import functools

import jax
import jax.numpy as jnp
from jax import lax
from jax.experimental import pallas as pl
from jax.experimental.pallas import tpu as pltpu
from jax.experimental.pallas import tpu_sc as plsc

D = 256
NVALS = 4 * 8192
NW = 32
VPW = NVALS // NW
OUTW = 4 * D
WWORDS = 256 * D


@functools.partial(
    pl.kernel,
    out_type=jax.ShapeDtypeStruct((NVALS * OUTW,), jnp.float32),
    mesh=plsc.VectorSubcoreMesh(core_axis_name="c", subcore_axis_name="s"),
    scratch_types=[
        pltpu.VMEM((VPW + 16,), jnp.int32),
        pltpu.VMEM((WWORDS,), jnp.float32),
        pltpu.VMEM_SHARED((WWORDS,), jnp.float32),
        pltpu.SemaphoreType.DMA,
        pltpu.SemaphoreType.DMA,
    ],
)
def _emb_kernel(xi_hbm, w_hbm, out_hbm, xi_v, w_v, sh_w, wsem, wsa):
    sid = lax.axis_index("s")
    wid = sid * 2 + lax.axis_index("c")
    vbase = wid * VPW

    WSL = WWORDS // 16
    pltpu.async_copy(
        w_hbm.at[pl.ds(sid * WSL, WSL)],
        sh_w.at[pl.ds(sid * WSL, WSL)],
        wsa)
    pltpu.sync_copy(xi_hbm.at[pl.ds(vbase, VPW)], xi_v.at[pl.ds(0, VPW)])
    pltpu.make_async_copy(
        w_hbm.at[pl.ds(0, WSL)], sh_w.at[pl.ds(0, WSL)], wsa).wait()
    plsc.subcore_barrier()
    pltpu.sync_copy(sh_w, w_v)

    def val_body(u, carry):
        w = xi_v[pl.ds(u, 16)][0]
        obase = (vbase + u) * OUTW
        for j in range(4):
            b = lax.shift_right_logical(w, jnp.int32(8 * j)) & 0xFF
            pltpu.async_copy(
                w_v.at[pl.ds(b * D, D)],
                out_hbm.at[pl.ds(obase + j * D, D)],
                wsem)
        return carry

    lax.fori_loop(0, VPW, val_body, 0)

    for _ in range(VPW * OUTW // WWORDS):
        pltpu.make_async_copy(
            w_v.at[pl.ds(0, WWORDS)],
            out_hbm.at[pl.ds(0, WWORDS)],
            wsem).wait()


def kernel(x, W):
    xi = lax.bitcast_convert_type(x, jnp.int32).reshape(-1)
    out = _emb_kernel(xi, W.reshape(-1))
    return out.reshape(x.shape[0], x.shape[1], 4 * D)

# --- scband reference (transcript-rebuilt; emitter-appended) ---
"""Pipeline reference for scband-byte-embedding-91018946936881 (READ-ONLY COPY).

The authoritative reference and input builder live on the scoring server;
editing this copy changes nothing except your own understanding.
"""

import jax, jax.numpy as jnp
import numpy as np

D_MODEL = 1024

def setup_inputs(seed: int = 0) -> dict:
    key = jax.random.key(seed)
    k1, k2 = jax.random.split(key)
    x = jax.random.normal(k1, (4, 8192), dtype=jnp.float32)
    # nn.Embedding(256, d_model // 4) weight, default init N(0,1)
    W = jax.random.normal(k2, (256, D_MODEL // 4), dtype=jnp.float32)
    return {"x": x, "W": W}

def reference(x, W):
    # reinterpret each float32 as 4 uint8 bytes -> shape x.shape + (4,)
    bytes_ = jax.lax.bitcast_convert_type(x, jnp.uint8)
    idx = bytes_.astype(jnp.int32)
    # embedding lookup: [B, S, 4, d_model//4]
    emb = jnp.take(W, idx, axis=0)
    # flatten last two dims -> [B, S, d_model]
    out = emb.reshape(emb.shape[:-2] + (emb.shape[-2] * emb.shape[-1],))
    return out

if __name__ == "__main__":
    import jax
    _d = setup_inputs()
    print(jax.jit(kernel)(*tuple(_d.values())))

</pallas_src>

<mosaic_0001>
#map = affine_map<(d0, d1) -> (0)>
module attributes {stable_mosaic.version = 14 : i64} {
  func.func @_emb_kernel(%arg0: i32, %arg1: i32, %arg2: memref<32768xi32, #tpu.memory_space<hbm>>, %arg3: memref<65536xf32, #tpu.memory_space<hbm>>, %arg4: memref<33554432xf32, #tpu.memory_space<hbm>>, %arg5: memref<1040xi32, #tpu.memory_space<vmem>>, %arg6: memref<65536xf32, #tpu.memory_space<vmem>>, %arg7: memref<65536xf32, #tpu.memory_space<vmem_shared>>, %arg8: memref<!tpu.dma_semaphore, #tpu.memory_space<semaphore_mem>>, %arg9: memref<!tpu.dma_semaphore, #tpu.memory_space<semaphore_mem>>) attributes {dimension_semantics = [#tpu.dimension_semantics<core_parallel>, #tpu.dimension_semantics<subcore_parallel>], iteration_bounds = array<i64: 2, 16>, scalar_prefetch = 0 : i64, scratch_operands = 5 : i64, tpu.core_type = #tpu.core_type<sc_vector_subcore>, window_params = [{transform_indices = #map}, {transform_indices = #map}, {transform_indices = #map}]} {
    %mul3A = arith.constant 2 : i32
    %mul3A_0 = arith.muli %arg1, %mul3A : i32
    %add3A = arith.addi %mul3A_0, %arg0 : i32
    %mul3A_1 = arith.constant 1024 : i32
    %mul3A_2 = arith.muli %add3A, %mul3A_1 : i32
    %mul3A_3 = arith.constant 4096 : i32
    %mul3A_4 = arith.muli %arg1, %mul3A_3 : i32
    %mul3A_5 = arith.constant 4096 : i32
    %mul3A_6 = arith.muli %arg1, %mul3A_5 : i32
    %dma_start3A = tpu.memref_slice %arg7[%mul3A_6] : memref<65536xf32, #tpu.memory_space<vmem_shared>> -> memref<4096xf32, #tpu.memory_space<vmem_shared>>
    %dma_start3A_7 = tpu.memref_slice %arg3[%mul3A_4] : memref<65536xf32, #tpu.memory_space<hbm>> -> memref<4096xf32, #tpu.memory_space<hbm>>
    tpu.enqueue_dma source(%dma_start3A_7 : memref<4096xf32, #tpu.memory_space<hbm>>) target(%dma_start3A : memref<4096xf32, #tpu.memory_space<vmem_shared>>) target_semaphore(%arg9 : memref<!tpu.dma_semaphore, #tpu.memory_space<semaphore_mem>>)
    "tpu.region"() ({
      %run_scoped3A = tpu.sem_alloc : memref<!tpu.dma_semaphore, #tpu.memory_space<semaphore_mem>>
      %dma_start3A_144 = arith.constant 0 : i32
      %dma_start3A_145 = tpu.memref_slice %arg5[%dma_start3A_144] : memref<1040xi32, #tpu.memory_space<vmem>> -> memref<1024xi32, #tpu.memory_space<vmem>>
      %dma_start3A_146 = tpu.memref_slice %arg2[%mul3A_2] : memref<32768xi32, #tpu.memory_space<hbm>> -> memref<1024xi32, #tpu.memory_space<hbm>>
      %dma_start3A_147 = arith.constant 0 : i32
      %dma_start3A_148 = tpu.memref_slice %arg5[%dma_start3A_147] : memref<1040xi32, #tpu.memory_space<vmem>> -> memref<1024xi32, #tpu.memory_space<vmem>>
      %dma_start3A_149 = tpu.memref_slice %arg2[%mul3A_2] : memref<32768xi32, #tpu.memory_space<hbm>> -> memref<1024xi32, #tpu.memory_space<hbm>>
      tpu.enqueue_dma source(%dma_start3A_149 : memref<1024xi32, #tpu.memory_space<hbm>>) target(%dma_start3A_148 : memref<1024xi32, #tpu.memory_space<vmem>>) target_semaphore(%run_scoped3A : memref<!tpu.dma_semaphore, #tpu.memory_space<semaphore_mem>>)
      %dma_wait3A_150 = arith.constant 0 : i32
      %dma_wait3A_151 = tpu.memref_slice %arg5[%dma_wait3A_150] : memref<1040xi32, #tpu.memory_space<vmem>> -> memref<1024xi32, #tpu.memory_space<vmem>>
      %dma_wait3A_152 = tpu.memref_slice %arg2[%mul3A_2] : memref<32768xi32, #tpu.memory_space<hbm>> -> memref<1024xi32, #tpu.memory_space<hbm>>
      %dma_wait3A_153 = arith.constant 0 : i32
      %dma_wait3A_154 = tpu.memref_slice %arg5[%dma_wait3A_153] : memref<1040xi32, #tpu.memory_space<vmem>> -> memref<1024xi32, #tpu.memory_space<vmem>>
      %dma_wait3A_155 = tpu.memref_slice %arg2[%mul3A_2] : memref<32768xi32, #tpu.memory_space<hbm>> -> memref<1024xi32, #tpu.memory_space<hbm>>
      tpu.wait_dma2 semaphore(%run_scoped3A : memref<!tpu.dma_semaphore, #tpu.memory_space<semaphore_mem>>) src(%dma_wait3A_155 : memref<1024xi32, #tpu.memory_space<hbm>>) dst(%dma_wait3A_154 : memref<1024xi32, #tpu.memory_space<vmem>>)
      tpu.yield
    }) : () -> ()
    %dma_wait3A = arith.constant 0 : i32
    %dma_wait3A_8 = tpu.memref_slice %arg7[%dma_wait3A] : memref<65536xf32, #tpu.memory_space<vmem_shared>> -> memref<4096xf32, #tpu.memory_space<vmem_shared>>
    %dma_wait3A_9 = arith.constant 0 : i32
    %dma_wait3A_10 = tpu.memref_slice %arg3[%dma_wait3A_9] : memref<65536xf32, #tpu.memory_space<hbm>> -> memref<4096xf32, #tpu.memory_space<hbm>>
    tpu.wait_dma2 semaphore(%arg9 : memref<!tpu.dma_semaphore, #tpu.memory_space<semaphore_mem>>) src(%dma_wait3A_10 : memref<4096xf32, #tpu.memory_space<hbm>>) dst(%dma_wait3A_8 : memref<4096xf32, #tpu.memory_space<vmem_shared>>)
    %barrier3A = arith.constant 0 : index
    tpu.barrier barrier_id(%barrier3A)
    "tpu.region"() ({
      %run_scoped3A = tpu.sem_alloc : memref<!tpu.dma_semaphore, #tpu.memory_space<semaphore_mem>>
      tpu.enqueue_dma source(%arg7 : memref<65536xf32, #tpu.memory_space<vmem_shared>>) target(%arg6 : memref<65536xf32, #tpu.memory_space<vmem>>) target_semaphore(%run_scoped3A : memref<!tpu.dma_semaphore, #tpu.memory_space<semaphore_mem>>)
      tpu.wait_dma2 semaphore(%run_scoped3A : memref<!tpu.dma_semaphore, #tpu.memory_space<semaphore_mem>>) src(%arg7 : memref<65536xf32, #tpu.memory_space<vmem_shared>>) dst(%arg6 : memref<65536xf32, #tpu.memory_space<vmem>>)
      tpu.yield
    }) : () -> ()
    %scan3A = arith.constant 0 : i32
    %scan3A_11 = arith.constant 0 : i32
    %scan3A_12 = arith.constant 1024 : i32
    %scan3A_13 = arith.addi %scan3A_11, %scan3A_12 : i32
    %scan3A_14 = arith.constant 1 : i32
    scf.for %scan3A_144 = %scan3A_11 to %scan3A_13 step %scan3A_14  : i32 {
      %get3A = arith.index_cast %scan3A_144 : i32 to index
      %get3A_145 = tpu.vector_load %arg5[%get3A] {strides = array<i32>} : memref<1040xi32, #tpu.memory_space<vmem>>, vector<16xi32>,
      %get3A_146 = vector.shape_cast %get3A_145 : vector<16xi32> to vector<16xi32>
      %slice3A = vector.extract_strided_slice %get3A_146 {offsets = [0], sizes = [1], strides = [1]} : vector<16xi32> to vector<1xi32>
      %squeeze3A = vector.extract %slice3A[0] : i32 from vector<1xi32>
      %add3A_147 = arith.addi %mul3A_2, %scan3A_144 : i32
      %mul3A_148 = arith.constant 1024 : i32
      %mul3A_149 = arith.muli %add3A_147, %mul3A_148 : i32
      %shift_right_logical3A = arith.constant 0 : i32
      %shift_right_logical3A_150 = arith.shrui %squeeze3A, %shift_right_logical3A : i32
      %and3A = arith.constant 255 : i32
      %and3A_151 = arith.andi %shift_right_logical3A_150, %and3A : i32
      %mul3A_152 = arith.constant 256 : i32
      %mul3A_153 = arith.muli %and3A_151, %mul3A_152 : i32
      %add3A_154 = arith.constant 0 : i32
      %add3A_155 = arith.addi %mul3A_149, %add3A_154 : i32
      %dma_start3A_156 = tpu.memref_slice %arg6[%mul3A_153] : memref<65536xf32, #tpu.memory_space<vmem>> -> memref<256xf32, #tpu.memory_space<vmem>>
      %dma_start3A_157 = tpu.memref_slice %arg4[%add3A_155] : memref<33554432xf32, #tpu.memory_space<hbm>> -> memref<256xf32, #tpu.memory_space<hbm>>
      %dma_start3A_158 = tpu.memref_slice %arg4[%add3A_155] : memref<33554432xf32, #tpu.memory_space<hbm>> -> memref<256xf32, #tpu.memory_space<hbm>>
      %dma_start3A_159 = tpu.memref_slice %arg6[%mul3A_153] : memref<65536xf32, #tpu.memory_space<vmem>> -> memref<256xf32, #tpu.memory_space<vmem>>
      tpu.enqueue_dma source(%dma_start3A_159 : memref<256xf32, #tpu.memory_space<vmem>>) target(%dma_start3A_158 : memref<256xf32, #tpu.memory_space<hbm>>) target_semaphore(%arg8 : memref<!tpu.dma_semaphore, #tpu.memory_space<semaphore_mem>>)
      %shift_right_logical3A_160 = arith.constant 8 : i32
      %shift_right_logical3A_161 = arith.shrui %squeeze3A, %shift_right_logical3A_160 : i32
      %and3A_162 = arith.constant 255 : i32
      %and3A_163 = arith.andi %shift_right_logical3A_161, %and3A_162 : i32
      %mul3A_164 = arith.constant 256 : i32
      %mul3A_165 = arith.muli %and3A_163, %mul3A_164 : i32
      %add3A_166 = arith.constant 256 : i32
      %add3A_167 = arith.addi %mul3A_149, %add3A_166 : i32
      %dma_start3A_168 = tpu.memref_slice %arg6[%mul3A_165] : memref<65536xf32, #tpu.memory_space<vmem>> -> memref<256xf32, #tpu.memory_space<vmem>>
      %dma_start3A_169 = tpu.memref_slice %arg4[%add3A_167] : memref<33554432xf32, #tpu.memory_space<hbm>> -> memref<256xf32, #tpu.memory_space<hbm>>
      %dma_start3A_170 = tpu.memref_slice %arg4[%add3A_167] : memref<33554432xf32, #tpu.memory_space<hbm>> -> memref<256xf32, #tpu.memory_space<hbm>>
      %dma_start3A_171 = tpu.memref_slice %arg6[%mul3A_165] : memref<65536xf32, #tpu.memory_space<vmem>> -> memref<256xf32, #tpu.memory_space<vmem>>
      tpu.enqueue_dma source(%dma_start3A_171 : memref<256xf32, #tpu.memory_space<vmem>>) target(%dma_start3A_170 : memref<256xf32, #tpu.memory_space<hbm>>) target_semaphore(%arg8 : memref<!tpu.dma_semaphore, #tpu.memory_space<semaphore_mem>>)
      %shift_right_logical3A_172 = arith.constant 16 : i32
      %shift_right_logical3A_173 = arith.shrui %squeeze3A, %shift_right_logical3A_172 : i32
      %and3A_174 = arith.constant 255 : i32
      %and3A_175 = arith.andi %shift_right_logical3A_173, %and3A_174 : i32
      %mul3A_176 = arith.constant 256 : i32
      %mul3A_177 = arith.muli %and3A_175, %mul3A_176 : i32
      %add3A_178 = arith.constant 512 : i32
      %add3A_179 = arith.addi %mul3A_149, %add3A_178 : i32
      %dma_start3A_180 = tpu.memref_slice %arg6[%mul3A_177] : memref<65536xf32, #tpu.memory_space<vmem>> -> memref<256xf32, #tpu.memory_space<vmem>>
      %dma_start3A_181 = tpu.memref_slice %arg4[%add3A_179] : memref<33554432xf32, #tpu.memory_space<hbm>> -> memref<256xf32, #tpu.memory_space<hbm>>
      %dma_start3A_182 = tpu.memref_slice %arg4[%add3A_179] : memref<33554432xf32, #tpu.memory_space<hbm>> -> memref<256xf32, #tpu.memory_space<hbm>>
      %dma_start3A_183 = tpu.memref_slice %arg6[%mul3A_177] : memref<65536xf32, #tpu.memory_space<vmem>> -> memref<256xf32, #tpu.memory_space<vmem>>
      tpu.enqueue_dma source(%dma_start3A_183 : memref<256xf32, #tpu.memory_space<vmem>>) target(%dma_start3A_182 : memref<256xf32, #tpu.memory_space<hbm>>) target_semaphore(%arg8 : memref<!tpu.dma_semaphore, #tpu.memory_space<semaphore_mem>>)
      %shift_right_logical3A_184 = arith.constant 24 : i32
      %shift_right_logical3A_185 = arith.shrui %squeeze3A, %shift_right_logical3A_184 : i32
      %and3A_186 = arith.constant 255 : i32
      %and3A_187 = arith.andi %shift_right_logical3A_185, %and3A_186 : i32
      %mul3A_188 = arith.constant 256 : i32
      %mul3A_189 = arith.muli %and3A_187, %mul3A_188 : i32
      %add3A_190 = arith.constant 768 : i32
      %add3A_191 = arith.addi %mul3A_149, %add3A_190 : i32
      %dma_start3A_192 = tpu.memref_slice %arg6[%mul3A_189] : memref<65536xf32, #tpu.memory_space<vmem>> -> memref<256xf32, #tpu.memory_space<vmem>>
      %dma_start3A_193 = tpu.memref_slice %arg4[%add3A_191] : memref<33554432xf32, #tpu.memory_space<hbm>> -> memref<256xf32, #tpu.memory_space<hbm>>
      %dma_start3A_194 = tpu.memref_slice %arg4[%add3A_191] : memref<33554432xf32, #tpu.memory_space<hbm>> -> memref<256xf32, #tpu.memory_space<hbm>>
      %dma_start3A_195 = tpu.memref_slice %arg6[%mul3A_189] : memref<65536xf32, #tpu.memory_space<vmem>> -> memref<256xf32, #tpu.memory_space<vmem>>
      tpu.enqueue_dma source(%dma_start3A_195 : memref<256xf32, #tpu.memory_space<vmem>>) target(%dma_start3A_194 : memref<256xf32, #tpu.memory_space<hbm>>) target_semaphore(%arg8 : memref<!tpu.dma_semaphore, #tpu.memory_space<semaphore_mem>>)
    }
    %scan3A_15 = arith.constant 1024 : i32
    %dma_wait3A_16 = arith.constant 0 : i32
    %dma_wait3A_17 = tpu.memref_slice %arg6[%dma_wait3A_16] : memref<65536xf32, #tpu.memory_space<vmem>> -> memref<65536xf32, #tpu.memory_space<vmem>>
    %dma_wait3A_18 = arith.constant 0 : i32
    %dma_wait3A_19 = tpu.memref_slice %arg4[%dma_wait3A_18] : memref<33554432xf32, #tpu.memory_space<hbm>> -> memref<65536xf32, #tpu.memory_space<hbm>>
    %dma_wait3A_20 = arith.constant 0 : i32
    %dma_wait3A_21 = tpu.memref_slice %arg4[%dma_wait3A_20] : memref<33554432xf32, #tpu.memory_space<hbm>> -> memref<65536xf32, #tpu.memory_space<hbm>>
    %dma_wait3A_22 = arith.constant 0 : i32
    %dma_wait3A_23 = tpu.memref_slice %arg6[%dma_wait3A_22] : memref<65536xf32, #tpu.memory_space<vmem>> -> memref<65536xf32, #tpu.memory_space<vmem>>
    tpu.wait_dma2 semaphore(%arg8 : memref<!tpu.dma_semaphore, #tpu.memory_space<semaphore_mem>>) src(%dma_wait3A_23 : memref<65536xf32, #tpu.memory_space<vmem>>) dst(%dma_wait3A_21 : memref<65536xf32, #tpu.memory_space<hbm>>)
    %dma_wait3A_24 = arith.constant 0 : i32
    %dma_wait3A_25 = tpu.memref_slice %arg6[%dma_wait3A_24] : memref<65536xf32, #tpu.memory_space<vmem>> -> memref<65536xf32, #tpu.memory_space<vmem>>
    %dma_wait3A_26 = arith.constant 0 : i32
    %dma_wait3A_27 = tpu.memref_slice %arg4[%dma_wait3A_26] : memref<33554432xf32, #tpu.memory_space<hbm>> -> memref<65536xf32, #tpu.memory_space<hbm>>
    %dma_wait3A_28 = arith.constant 0 : i32
    %dma_wait3A_29 = tpu.memref_slice %arg4[%dma_wait3A_28] : memref<33554432xf32, #tpu.memory_space<hbm>> -> memref<65536xf32, #tpu.memory_space<hbm>>
    %dma_wait3A_30 = arith.constant 0 : i32
    %dma_wait3A_31 = tpu.memref_slice %arg6[%dma_wait3A_30] : memref<65536xf32, #tpu.memory_space<vmem>> -> memref<65536xf32, #tpu.memory_space<vmem>>
    tpu.wait_dma2 semaphore(%arg8 : memref<!tpu.dma_semaphore, #tpu.memory_space<semaphore_mem>>) src(%dma_wait3A_31 : memref<65536xf32, #tpu.memory_space<vmem>>) dst(%dma_wait3A_29 : memref<65536xf32, #tpu.memory_space<hbm>>)
    %dma_wait3A_32 = arith.constant 0 : i32
    %dma_wait3A_33 = tpu.memref_slice %arg6[%dma_wait3A_32] : memref<65536xf32, #tpu.memory_space<vmem>> -> memref<65536xf32, #tpu.memory_space<vmem>>
    %dma_wait3A_34 = arith.constant 0 : i32
    %dma_wait3A_35 = tpu.memref_slice %arg4[%dma_wait3A_34] : memref<33554432xf32, #tpu.memory_space<hbm>> -> memref<65536xf32, #tpu.memory_space<hbm>>
    %dma_wait3A_36 = arith.constant 0 : i32
    %dma_wait3A_37 = tpu.memref_slice %arg4[%dma_wait3A_36] : memref<33554432xf32, #tpu.memory_space<hbm>> -> memref<65536xf32, #tpu.memory_space<hbm>>
    %dma_wait3A_38 = arith.constant 0 : i32
    %dma_wait3A_39 = tpu.memref_slice %arg6[%dma_wait3A_38] : memref<65536xf32, #tpu.memory_space<vmem>> -> memref<65536xf32, #tpu.memory_space<vmem>>
    tpu.wait_dma2 semaphore(%arg8 : memref<!tpu.dma_semaphore, #tpu.memory_space<semaphore_mem>>) src(%dma_wait3A_39 : memref<65536xf32, #tpu.memory_space<vmem>>) dst(%dma_wait3A_37 : memref<65536xf32, #tpu.memory_space<hbm>>)
    %dma_wait3A_40 = arith.constant 0 : i32
    %dma_wait3A_41 = tpu.memref_slice %arg6[%dma_wait3A_40] : memref<65536xf32, #tpu.memory_space<vmem>> -> memref<65536xf32, #tpu.memory_space<vmem>>
    %dma_wait3A_42 = arith.constant 0 : i32
    %dma_wait3A_43 = tpu.memref_slice %arg4[%dma_wait3A_42] : memref<33554432xf32, #tpu.memory_space<hbm>> -> memref<65536xf32, #tpu.memory_space<hbm>>
    %dma_wait3A_44 = arith.constant 0 : i32
    %dma_wait3A_45 = tpu.memref_slice %arg4[%dma_wait3A_44] : memref<33554432xf32, #tpu.memory_space<hbm>> -> memref<65536xf32, #tpu.memory_space<hbm>>
    %dma_wait3A_46 = arith.constant 0 : i32
    %dma_wait3A_47 = tpu.memref_slice %arg6[%dma_wait3A_46] : memref<65536xf32, #tpu.memory_space<vmem>> -> memref<65536xf32, #tpu.memory_space<vmem>>
    tpu.wait_dma2 semaphore(%arg8 : memref<!tpu.dma_semaphore, #tpu.memory_space<semaphore_mem>>) src(%dma_wait3A_47 : memref<65536xf32, #tpu.memory_space<vmem>>) dst(%dma_wait3A_45 : memref<65536xf32, #tpu.memory_space<hbm>>)
    %dma_wait3A_48 = arith.constant 0 : i32
    %dma_wait3A_49 = tpu.memref_slice %arg6[%dma_wait3A_48] : memref<65536xf32, #tpu.memory_space<vmem>> -> memref<65536xf32, #tpu.memory_space<vmem>>
    %dma_wait3A_50 = arith.constant 0 : i32
    %dma_wait3A_51 = tpu.memref_slice %arg4[%dma_wait3A_50] : memref<33554432xf32, #tpu.memory_space<hbm>> -> memref<65536xf32, #tpu.memory_space<hbm>>
    %dma_wait3A_52 = arith.constant 0 : i32
    %dma_wait3A_53 = tpu.memref_slice %arg4[%dma_wait3A_52] : memref<33554432xf32, #tpu.memory_space<hbm>> -> memref<65536xf32, #tpu.memory_space<hbm>>
    %dma_wait3A_54 = arith.constant 0 : i32
    %dma_wait3A_55 = tpu.memref_slice %arg6[%dma_wait3A_54] : memref<65536xf32, #tpu.memory_space<vmem>> -> memref<65536xf32, #tpu.memory_space<vmem>>
    tpu.wait_dma2 semaphore(%arg8 : memref<!tpu.dma_semaphore, #tpu.memory_space<semaphore_mem>>) src(%dma_wait3A_55 : memref<65536xf32, #tpu.memory_space<vmem>>) dst(%dma_wait3A_53 : memref<65536xf32, #tpu.memory_space<hbm>>)
    %dma_wait3A_56 = arith.constant 0 : i32
    %dma_wait3A_57 = tpu.memref_slice %arg6[%dma_wait3A_56] : memref<65536xf32, #tpu.memory_space<vmem>> -> memref<65536xf32, #tpu.memory_space<vmem>>
    %dma_wait3A_58 = arith.constant 0 : i32
    %dma_wait3A_59 = tpu.memref_slice %arg4[%dma_wait3A_58] : memref<33554432xf32, #tpu.memory_space<hbm>> -> memref<65536xf32, #tpu.memory_space<hbm>>
    %dma_wait3A_60 = arith.constant 0 : i32
    %dma_wait3A_61 = tpu.memref_slice %arg4[%dma_wait3A_60] : memref<33554432xf32, #tpu.memory_space<hbm>> -> memref<65536xf32, #tpu.memory_space<hbm>>
    %dma_wait3A_62 = arith.constant 0 : i32
    %dma_wait3A_63 = tpu.memref_slice %arg6[%dma_wait3A_62] : memref<65536xf32, #tpu.memory_space<vmem>> -> memref<65536xf32, #tpu.memory_space<vmem>>
    tpu.wait_dma2 semaphore(%arg8 : memref<!tpu.dma_semaphore, #tpu.memory_space<semaphore_mem>>) src(%dma_wait3A_63 : memref<65536xf32, #tpu.memory_space<vmem>>) dst(%dma_wait3A_61 : memref<65536xf32, #tpu.memory_space<hbm>>)
    %dma_wait3A_64 = arith.constant 0 : i32
    %dma_wait3A_65 = tpu.memref_slice %arg6[%dma_wait3A_64] : memref<65536xf32, #tpu.memory_space<vmem>> -> memref<65536xf32, #tpu.memory_space<vmem>>
    %dma_wait3A_66 = arith.constant 0 : i32
    %dma_wait3A_67 = tpu.memref_slice %arg4[%dma_wait3A_66] : memref<33554432xf32, #tpu.memory_space<hbm>> -> memref<65536xf32, #tpu.memory_space<hbm>>
    %dma_wait3A_68 = arith.constant 0 : i32
    %dma_wait3A_69 = tpu.memref_slice %arg4[%dma_wait3A_68] : memref<33554432xf32, #tpu.memory_space<hbm>> -> memref<65536xf32, #tpu.memory_space<hbm>>
    %dma_wait3A_70 = arith.constant 0 : i32
    %dma_wait3A_71 = tpu.memref_slice %arg6[%dma_wait3A_70] : memref<65536xf32, #tpu.memory_space<vmem>> -> memref<65536xf32, #tpu.memory_space<vmem>>
    tpu.wait_dma2 semaphore(%arg8 : memref<!tpu.dma_semaphore, #tpu.memory_space<semaphore_mem>>) src(%dma_wait3A_71 : memref<65536xf32, #tpu.memory_space<vmem>>) dst(%dma_wait3A_69 : memref<65536xf32, #tpu.memory_space<hbm>>)
    %dma_wait3A_72 = arith.constant 0 : i32
    %dma_wait3A_73 = tpu.memref_slice %arg6[%dma_wait3A_72] : memref<65536xf32, #tpu.memory_space<vmem>> -> memref<65536xf32, #tpu.memory_space<vmem>>
    %dma_wait3A_74 = arith.constant 0 : i32
    %dma_wait3A_75 = tpu.memref_slice %arg4[%dma_wait3A_74] : memref<33554432xf32, #tpu.memory_space<hbm>> -> memref<65536xf32, #tpu.memory_space<hbm>>
    %dma_wait3A_76 = arith.constant 0 : i32
    %dma_wait3A_77 = tpu.memref_slice %arg4[%dma_wait3A_76] : memref<33554432xf32, #tpu.memory_space<hbm>> -> memref<65536xf32, #tpu.memory_space<hbm>>
    %dma_wait3A_78 = arith.constant 0 : i32
    %dma_wait3A_79 = tpu.memref_slice %arg6[%dma_wait3A_78] : memref<65536xf32, #tpu.memory_space<vmem>> -> memref<65536xf32, #tpu.memory_space<vmem>>
    tpu.wait_dma2 semaphore(%arg8 : memref<!tpu.dma_semaphore, #tpu.memory_space<semaphore_mem>>) src(%dma_wait3A_79 : memref<65536xf32, #tpu.memory_space<vmem>>) dst(%dma_wait3A_77 : memref<65536xf32, #tpu.memory_space<hbm>>)
    %dma_wait3A_80 = arith.constant 0 : i32
    %dma_wait3A_81 = tpu.memref_slice %arg6[%dma_wait3A_80] : memref<65536xf32, #tpu.memory_space<vmem>> -> memref<65536xf32, #tpu.memory_space<vmem>>
    %dma_wait3A_82 = arith.constant 0 : i32
    %dma_wait3A_83 = tpu.memref_slice %arg4[%dma_wait3A_82] : memref<33554432xf32, #tpu.memory_space<hbm>> -> memref<65536xf32, #tpu.memory_space<hbm>>
    %dma_wait3A_84 = arith.constant 0 : i32
    %dma_wait3A_85 = tpu.memref_slice %arg4[%dma_wait3A_84] : memref<33554432xf32, #tpu.memory_space<hbm>> -> memref<65536xf32, #tpu.memory_space<hbm>>
    %dma_wait3A_86 = arith.constant 0 : i32
    %dma_wait3A_87 = tpu.memref_slice %arg6[%dma_wait3A_86] : memref<65536xf32, #tpu.memory_space<vmem>> -> memref<65536xf32, #tpu.memory_space<vmem>>
    tpu.wait_dma2 semaphore(%arg8 : memref<!tpu.dma_semaphore, #tpu.memory_space<semaphore_mem>>) src(%dma_wait3A_87 : memref<65536xf32, #tpu.memory_space<vmem>>) dst(%dma_wait3A_85 : memref<65536xf32, #tpu.memory_space<hbm>>)
    %dma_wait3A_88 = arith.constant 0 : i32
    %dma_wait3A_89 = tpu.memref_slice %arg6[%dma_wait3A_88] : memref<65536xf32, #tpu.memory_space<vmem>> -> memref<65536xf32, #tpu.memory_space<vmem>>
    %dma_wait3A_90 = arith.constant 0 : i32
    %dma_wait3A_91 = tpu.memref_slice %arg4[%dma_wait3A_90] : memref<33554432xf32, #tpu.memory_space<hbm>> -> memref<65536xf32, #tpu.memory_space<hbm>>
    %dma_wait3A_92 = arith.constant 0 : i32
    %dma_wait3A_93 = tpu.memref_slice %arg4[%dma_wait3A_92] : memref<33554432xf32, #tpu.memory_space<hbm>> -> memref<65536xf32, #tpu.memory_space<hbm>>
    %dma_wait3A_94 = arith.constant 0 : i32
    %dma_wait3A_95 = tpu.memref_slice %arg6[%dma_wait3A_94] : memref<65536xf32, #tpu.memory_space<vmem>> -> memref<65536xf32, #tpu.memory_space<vmem>>
    tpu.wait_dma2 semaphore(%arg8 : memref<!tpu.dma_semaphore, #tpu.memory_space<semaphore_mem>>) src(%dma_wait3A_95 : memref<65536xf32, #tpu.memory_space<vmem>>) dst(%dma_wait3A_93 : memref<65536xf32, #tpu.memory_space<hbm>>)
    %dma_wait3A_96 = arith.constant 0 : i32
    %dma_wait3A_97 = tpu.memref_slice %arg6[%dma_wait3A_96] : memref<65536xf32, #tpu.memory_space<vmem>> -> memref<65536xf32, #tpu.memory_space<vmem>>
    %dma_wait3A_98 = arith.constant 0 : i32
    %dma_wait3A_99 = tpu.memref_slice %arg4[%dma_wait3A_98] : memref<33554432xf32, #tpu.memory_space<hbm>> -> memref<65536xf32, #tpu.memory_space<hbm>>
    %dma_wait3A_100 = arith.constant 0 : i32
    %dma_wait3A_101 = tpu.memref_slice %arg4[%dma_wait3A_100] : memref<33554432xf32, #tpu.memory_space<hbm>> -> memref<65536xf32, #tpu.memory_space<hbm>>
    %dma_wait3A_102 = arith.constant 0 : i32
    %dma_wait3A_103 = tpu.memref_slice %arg6[%dma_wait3A_102] : memref<65536xf32, #tpu.memory_space<vmem>> -> memref<65536xf32, #tpu.memory_space<vmem>>
    tpu.wait_dma2 semaphore(%arg8 : memref<!tpu.dma_semaphore, #tpu.memory_space<semaphore_mem>>) src(%dma_wait3A_103 : memref<65536xf32, #tpu.memory_space<vmem>>) dst(%dma_wait3A_101 : memref<65536xf32, #tpu.memory_space<hbm>>)
    %dma_wait3A_104 = arith.constant 0 : i32
    %dma_wait3A_105 = tpu.memref_slice %arg6[%dma_wait3A_104] : memref<65536xf32, #tpu.memory_space<vmem>> -> memref<65536xf32, #tpu.memory_space<vmem>>
    %dma_wait3A_106 = arith.constant 0 : i32
    %dma_wait3A_107 = tpu.memref_slice %arg4[%dma_wait3A_106] : memref<33554432xf32, #tpu.memory_space<hbm>> -> memref<65536xf32, #tpu.memory_space<hbm>>
    %dma_wait3A_108 = arith.constant 0 : i32
    %dma_wait3A_109 = tpu.memref_slice %arg4[%dma_wait3A_108] : memref<33554432xf32, #tpu.memory_space<hbm>> -> memref<65536xf32, #tpu.memory_space<hbm>>
    %dma_wait3A_110 = arith.constant 0 : i32
    %dma_wait3A_111 = tpu.memref_slice %arg6[%dma_wait3A_110] : memref<65536xf32, #tpu.memory_space<vmem>> -> memref<65536xf32, #tpu.memory_space<vmem>>
    tpu.wait_dma2 semaphore(%arg8 : memref<!tpu.dma_semaphore, #tpu.memory_space<semaphore_mem>>) src(%dma_wait3A_111 : memref<65536xf32, #tpu.memory_space<vmem>>) dst(%dma_wait3A_109 : memref<65536xf32, #tpu.memory_space<hbm>>)
    %dma_wait3A_112 = arith.constant 0 : i32
    %dma_wait3A_113 = tpu.memref_slice %arg6[%dma_wait3A_112] : memref<65536xf32, #tpu.memory_space<vmem>> -> memref<65536xf32, #tpu.memory_space<vmem>>
    %dma_wait3A_114 = arith.constant 0 : i32
    %dma_wait3A_115 = tpu.memref_slice %arg4[%dma_wait3A_114] : memref<33554432xf32, #tpu.memory_space<hbm>> -> memref<65536xf32, #tpu.memory_space<hbm>>
    %dma_wait3A_116 = arith.constant 0 : i32
    %dma_wait3A_117 = tpu.memref_slice %arg4[%dma_wait3A_116] : memref<33554432xf32, #tpu.memory_space<hbm>> -> memref<65536xf32, #tpu.memory_space<hbm>>
    %dma_wait3A_118 = arith.constant 0 : i32
    %dma_wait3A_119 = tpu.memref_slice %arg6[%dma_wait3A_118] : memref<65536xf32, #tpu.memory_space<vmem>> -> memref<65536xf32, #tpu.memory_space<vmem>>
    tpu.wait_dma2 semaphore(%arg8 : memref<!tpu.dma_semaphore, #tpu.memory_space<semaphore_mem>>) src(%dma_wait3A_119 : memref<65536xf32, #tpu.memory_space<vmem>>) dst(%dma_wait3A_117 : memref<65536xf32, #tpu.memory_space<hbm>>)
    %dma_wait3A_120 = arith.constant 0 : i32
    %dma_wait3A_121 = tpu.memref_slice %arg6[%dma_wait3A_120] : memref<65536xf32, #tpu.memory_space<vmem>> -> memref<65536xf32, #tpu.memory_space<vmem>>
    %dma_wait3A_122 = arith.constant 0 : i32
    %dma_wait3A_123 = tpu.memref_slice %arg4[%dma_wait3A_122] : memref<33554432xf32, #tpu.memory_space<hbm>> -> memref<65536xf32, #tpu.memory_space<hbm>>
    %dma_wait3A_124 = arith.constant 0 : i32
    %dma_wait3A_125 = tpu.memref_slice %arg4[%dma_wait3A_124] : memref<33554432xf32, #tpu.memory_space<hbm>> -> memref<65536xf32, #tpu.memory_space<hbm>>
    %dma_wait3A_126 = arith.constant 0 : i32
    %dma_wait3A_127 = tpu.memref_slice %arg6[%dma_wait3A_126] : memref<65536xf32, #tpu.memory_space<vmem>> -> memref<65536xf32, #tpu.memory_space<vmem>>
    tpu.wait_dma2 semaphore(%arg8 : memref<!tpu.dma_semaphore, #tpu.memory_space<semaphore_mem>>) src(%dma_wait3A_127 : memref<65536xf32, #tpu.memory_space<vmem>>) dst(%dma_wait3A_125 : memref<65536xf32, #tpu.memory_space<hbm>>)
    %dma_wait3A_128 = arith.constant 0 : i32
    %dma_wait3A_129 = tpu.memref_slice %arg6[%dma_wait3A_128] : memref<65536xf32, #tpu.memory_space<vmem>> -> memref<65536xf32, #tpu.memory_space<vmem>>
    %dma_wait3A_130 = arith.constant 0 : i32
    %dma_wait3A_131 = tpu.memref_slice %arg4[%dma_wait3A_130] : memref<33554432xf32, #tpu.memory_space<hbm>> -> memref<65536xf32, #tpu.memory_space<hbm>>
    %dma_wait3A_132 = arith.constant 0 : i32
    %dma_wait3A_133 = tpu.memref_slice %arg4[%dma_wait3A_132] : memref<33554432xf32, #tpu.memory_space<hbm>> -> memref<65536xf32, #tpu.memory_space<hbm>>
    %dma_wait3A_134 = arith.constant 0 : i32
    %dma_wait3A_135 = tpu.memref_slice %arg6[%dma_wait3A_134] : memref<65536xf32, #tpu.memory_space<vmem>> -> memref<65536xf32, #tpu.memory_space<vmem>>
    tpu.wait_dma2 semaphore(%arg8 : memref<!tpu.dma_semaphore, #tpu.memory_space<semaphore_mem>>) src(%dma_wait3A_135 : memref<65536xf32, #tpu.memory_space<vmem>>) dst(%dma_wait3A_133 : memref<65536xf32, #tpu.memory_space<hbm>>)
    %dma_wait3A_136 = arith.constant 0 : i32
    %dma_wait3A_137 = tpu.memref_slice %arg6[%dma_wait3A_136] : memref<65536xf32, #tpu.memory_space<vmem>> -> memref<65536xf32, #tpu.memory_space<vmem>>
    %dma_wait3A_138 = arith.constant 0 : i32
    %dma_wait3A_139 = tpu.memref_slice %arg4[%dma_wait3A_138] : memref<33554432xf32, #tpu.memory_space<hbm>> -> memref<65536xf32, #tpu.memory_space<hbm>>
    %dma_wait3A_140 = arith.constant 0 : i32
    %dma_wait3A_141 = tpu.memref_slice %arg4[%dma_wait3A_140] : memref<33554432xf32, #tpu.memory_space<hbm>> -> memref<65536xf32, #tpu.memory_space<hbm>>
    %dma_wait3A_142 = arith.constant 0 : i32
    %dma_wait3A_143 = tpu.memref_slice %arg6[%dma_wait3A_142] : memref<65536xf32, #tpu.memory_space<vmem>> -> memref<65536xf32, #tpu.memory_space<vmem>>
    tpu.wait_dma2 semaphore(%arg8 : memref<!tpu.dma_semaphore, #tpu.memory_space<semaphore_mem>>) src(%dma_wait3A_143 : memref<65536xf32, #tpu.memory_space<vmem>>) dst(%dma_wait3A_141 : memref<65536xf32, #tpu.memory_space<hbm>>)
    return
  }
}

</mosaic_0001>

<sc_bundles>
// kernel: kernel.3.cloned.1.call-start
scs
__scs_entry_jumppad:
0x0: {  	(pc) =	sbr.rel $0x88, $3  }
0x1: {  	(tag) =	ssettag $0x0;
	lr =	simm.s32 $0x1  }
0x2: {  	[smem:$0x3F9F] =	sst lr;
	_ =	strace $0xD0000000  }
0x3: {  	_ = 	snop  }
0x4: {  	_ = 	snop  }
0x5: {  	_ = 	snop  }
0x6: {  	_ = 	snop  }
0x7: {  	_ = 	snop  }
__scs_overlays_trampoline_lowered:
0x8: {  	[smem:$0x3FAE] =	sst s0  }
0x9: {  	[smem:$0x3FAF] =	sst s1  }
0xa: {  	[smem:$0x3FB0] =	sst s2  }
0xb: {  	[smem:$0x3FB1] =	sst s3  }
0xc: {  	[smem:$0x3FB2] =	sst s4  }
0xd: {  	[smem:$0x3FB3] =	sst s5  }
0xe: {  	[smem:$0x3FB4] =	sst s6  }
0xf: {  	[smem:$0x3FB5] =	sst s7  }
0x10: {  	[smem:$0x3FB6] =	sst s8  }
0x11: {  	[smem:$0x3FB7] =	sst s9;
	s0 =	simm.s32 @!p0 $0x0  }
0x12: {  	s1 =	sld [smem:$0x3F9D];
	s0 =	simm.s32 @p0 $0x1  }
0x13: {  	[smem:$0x3FB8] =	sst s0;
	s0 =	simm.s32 @!p1 $0x0  }
0x14: {  	s2 =	sld [smem:$0x3F9C];
	s0 =	simm.s32 @p1 $0x1  }
0x15: {  	[smem:$0x3FB9] =	sst s0;
	s0 =	simm.s32 @!p2 $0x0  }
0x16: {  	s3 =	sld [smem:$0x3FDB];
	s0 =	simm.s32 @p2 $0x1  }
0x17: {  	s4 =	simm.s32 $0x1BF5;
	[smem:$0x3FBB] =	sst s0  }
0x18: {  	s0 =	sld [smem:$0x3F9E];
	_ =	swait.ge [sflag:s4], $0x0  }
0x19: {  	s7 =	sld [smem:$0x3F9F]  }
0x1a: {  	s8 =	sadd.s32 $0xFFFFE003, lr  }
0x1b: {  	s9 =	sadd.s32 $0xFFFFFEF7, lr;
	s5 =	simm.s32 $0xFFFFFFFF;
	p2 =	slt.u32 s8, $0xFFFFF086  }
0x1c: {  	p1 =	slt.u32 s9, $0xF7A;
	s5 =	simm.s32 @!p2 $0x0  }
0x1d: {  	s5 =	simm.s32 @p1 $0x1;
	p0 =	seq.s32 s7, s2  }
0x1e: {  	s7 =	smul.u32 @!p0 $0xF7A, s2;
	p2 =	seq.s32 @!p0 s5, $0x0  }
0x1f: {  	s9 =	smul.u32 $0xF7A, s1;
	s8 =	simm.s32 @!p0 $0x1BF5;
	p2 =	por !p2, p0  }
0x20: {  	[sflag:s8] =	ssyncset.s32 @!p0 $0xFFFFF086;
	s6 =	sadd.s32 @!p0 s3, s7;
	s7 =	simm.s32 @!p0 $0x108  }
0x21: {  	s3 =	sadd.s32 s3, s9;
	s6 =	sadd.s32 @!p0 $0x88, s6;
	s7 =	simm.s32 @p2 $0x1082  }
0x22: {  	[simem:s7], [sflag:s8] =	dma.local @!p0 [hbm:s6], $0xF7A  }
0x23: {  	s9 =	sor.u32 $0xD0000000, s2;
	s6 =	simm.s32 $0x108;
	_ =	swait.ge @!p0 [sflag:s8], $0x0  }
0x24: {  	s3 =	sadd.s32 $0x88, s3;
	s6 =	simm.s32 @!p1 $0x1082;
	[sflag:s4] =	ssyncset.s32 $0xFFFFF086  }
0x25: {  	[simem:s6], [sflag:s4] =	dma.local [hbm:s3], $0xF7A  }
0x26: {  	[smem:$0x3F9F] =	sst s1;
	(tag) =	ssettag s2;
	_ =	strace s9  }
0x27: {  	s1 =	sld [smem:$0x3FAF]  }
0x28: {  	s2 =	sld [smem:$0x3FB0]  }
0x29: {  	s4 =	sld [smem:$0x3FB2]  }
0x2a: {  	p0 =	seq.s32 s5, $0x0;
	s5 =	sld [smem:$0x3FB3]  }
0x2b: {  	s6 =	sld [smem:$0x3FB4]  }
0x2c: {  	s7 =	sld [smem:$0x3FB5]  }
0x2d: {  	s3 =	simm.s32 $0x108;
	s8 =	sld [smem:$0x3FB6]  }
0x2e: {  	s3 =	simm.s32 @!p0 $0x1082;
	s9 =	sld [smem:$0x3FB7]  }
0x2f: {  	lr =	sadd.s32 s0, s3;
	s0 =	sld [smem:$0x3FAE]  }
0x30: {  	s3 =	sld [smem:$0x3FB1]  }
0x31: {  	[smem:$0x3FBA] =	sst s10  }
0x32: {  	s10 =	sld [smem:$0x3FB8];
	_ =	sdelay $0x3  }
0x33: {  	p0 =	seq.s32 s10, $0x1;
	s10 =	sld [smem:$0x3FBA];
	_ =	sdelay $0x3  }
0x34: {  	[smem:$0x3FBA] =	sst s10  }
0x35: {  	s10 =	sld [smem:$0x3FB9];
	_ =	sdelay $0x3  }
0x36: {  	p1 =	seq.s32 s10, $0x1;
	s10 =	sld [smem:$0x3FBA];
	_ =	sdelay $0x3  }
0x37: {  	[smem:$0x3FBA] =	sst s10  }
0x38: {  	s10 =	sld [smem:$0x3FBB]  }
0x39: {  	_ = 	snop;
	(pc) =	sbr.ind lr, $3  }
0x3a: {  	_ = 	snop  }
0x3b: {  	_ = 	snop  }
0x3c: {  	p2 =	seq.s32 s10, $0x1;
	s10 =	sld [smem:$0x3FBA]  }
0x3d: {  	_ =	shalt  }
0x3e: {  	_ =	shalt  }
0x3f: {  	_ =	shalt  }
0x40: {  	_ =	shalt  }
0x41: {  	_ =	shalt  }
0x42: {  	_ =	shalt  }
0x43: {  	_ =	shalt  }
0x44: {  	_ =	shalt  }
0x45: {  	_ =	shalt  }
0x46: {  	_ =	shalt  }
0x47: {  	_ =	shalt  }
0x48: {  	_ =	shalt  }
0x49: {  	_ =	shalt  }
0x4a: {  	_ =	shalt  }
0x4b: {  	_ =	shalt  }
0x4c: {  	_ =	shalt  }
0x4d: {  	_ =	shalt  }
0x4e: {  	_ =	shalt  }
0x4f: {  	_ =	shalt  }
0x50: {  	_ =	shalt  }
0x51: {  	_ =	shalt  }
0x52: {  	_ =	shalt  }
0x53: {  	_ =	shalt  }
0x54: {  	_ =	shalt  }
0x55: {  	_ =	shalt  }
0x56: {  	_ =	shalt  }
0x57: {  	_ =	shalt  }
0x58: {  	_ =	shalt  }
0x59: {  	_ =	shalt  }
0x5a: {  	_ =	shalt  }
0x5b: {  	_ =	shalt  }
0x5c: {  	_ =	shalt  }
0x5d: {  	_ =	shalt  }
0x5e: {  	_ =	shalt  }
0x5f: {  	_ =	shalt  }
0x60: {  	_ =	shalt  }
0x61: {  	_ =	shalt  }
0x62: {  	_ =	shalt  }
0x63: {  	_ =	shalt  }
0x64: {  	_ =	shalt  }
0x65: {  	_ =	shalt  }
0x66: {  	_ =	shalt  }
0x67: {  	_ =	shalt  }
0x68: {  	_ =	shalt  }
0x69: {  	_ =	shalt  }
0x6a: {  	_ =	shalt  }
0x6b: {  	_ =	shalt  }
0x6c: {  	_ =	shalt  }
0x6d: {  	_ =	shalt  }
0x6e: {  	_ =	shalt  }
0x6f: {  	_ =	shalt  }
0x70: {  	_ =	shalt  }
0x71: {  	_ =	shalt  }
0x72: {  	_ =	shalt  }
0x73: {  	_ =	shalt  }
0x74: {  	_ =	shalt  }
0x75: {  	_ =	shalt  }
0x76: {  	_ =	shalt  }
0x77: {  	_ =	shalt  }
0x78: {  	_ =	shalt  }
0x79: {  	_ =	shalt  }
0x7a: {  	_ =	shalt  }
0x7b: {  	_ =	shalt  }
0x7c: {  	_ =	shalt  }
0x7d: {  	_ =	shalt  }
0x7e: {  	_ =	shalt  }
0x7f: {  	_ =	shalt  }
0x80: {  	_ =	shalt  }
0x81: {  	_ =	shalt  }
0x82: {  	_ =	shalt  }
0x83: {  	_ =	shalt  }
0x84: {  	_ =	shalt  }
0x85: {  	_ =	shalt  }
0x86: {  	_ =	shalt  }
0x87: {  	_ =	shalt  }
.Lfunc_end0:
.L_simem_size_0:
called_computation_lowered:
.L_overlay_start_0:
0x88: {  	s2 =	sld [smem:$0x3FD9]  }
0x89: {  	s3 =	sld [smem:$0x3FFE];
	_ =	sdelay $0x1  }
0x8a: {  	s1 =	srdreg.scid  }
0x8b: {  	s0 =	sand.u32 $0x1, s1  }
0x8c: {  	s17 =	sshll.u32 s0, $0xA;
	s2 =	sadd.s32 s3, s2  }
0x8d: {  	s2 =	sadd.s32 s2, s17  }
0x8e: {  	[smem:$0x3FC6] =	sst s2  }
0x8f: {  	_ = 	snop  }
0x90: {  	s2 =	sld [smem:$0x3FD0];
	(tm) =	ssettm $0x1  }
0x91: {  	s18 =	sld [smem:$0x3FFB];
	_ =	sdelay $0x3  }
0x92: {  	_ =	strace s18  }
0x93: {  	s3 =	sld [smem:$0x3FFC];
	_ =	sdelay $0x3  }
0x94: {  	_ =	strace s3  }
0x95: {  	s3 =	sld [smem:$0x3FFD];
	_ =	sdelay $0x3  }
0x96: {  	_ =	strace s3  }
0x97: {  	_ =	strace $0x8FFFFFFF  }
0x98: {  	s19 =	sld [smem:$0x3FDB];
	_ =	sdelay $0x1  }
0x99: {  	s4 =	simm.s32 $_scs_section_size  }
0x9a: {  	s5 =	simm.s32 $_size__tile_overlayer_lowered;
	s6 =	simm.s32 $_tile_overlayer_lowered  }
0x9b: {  	s22 =	simm.s32 $0x1BFF;
	s21 =	sshll.u32 s6, $0x1;
	s3 =	sadd.s32 s4, s19  }
0x9c: {  	s7 =	simm.s32 $0x0;
	s20 =	sshll.u32 s5, $0x1;
	s5 =	sadd.s32 s21, s3  }
0x9d: {  	[timem:s7], [sflag:s22] =	dma.local [hbm:s5], s20  }
0x9e: {  	_ =	swait.ge [sflag:s22], s20  }
0x9f: {  	s4 =	ssub.s32 $0x0, s20;
	[sflag:s22] =	ssyncset.done $0x0  }
0xa0: {  	[sflag:s22] =	ssyncadd.s32 s4;
	_ =	sdelay $0x1  }
0xa1: {  	s23 =	simm.s32 $0x1B8B  }
0xa2: {  	_ =	swait.ge [sflag:s23], $0x1  }
0xa3: {  	[sflag:s23] =	ssyncset.done $0x0  }
0xa4: {  	s25 =	simm.s32 $0x1B8E;
	s24 =	sld [smem:$0x3FFE];
	[sflag:s23] =	ssyncadd.s32 $0xFFFFFFFF  }
0xa5: {  	s26 =	simm.s32 $execute0_lowered;
	[smem:$0x3FD2] =	sst s25  }
0xa6: {  	s5 =	sshll.u32 s26, $0x1;
	_ =	strace $0x80000046;
	[dreg:$0x1] =	wrdreg $0xFFFFFFFF  }
0xa7: {  	s28 =	simm.s32 $_size_execute0_lowered;
	s3 =	sadd.s32 s3, s5;
	[dreg:$0x0] =	wrdreg $0x0  }
0xa8: {  	s5 =	sshll.u32 s28, $0x1;
	[dreg:$0x2] =	wrdreg s3  }
0xa9: {  	[dreg:$0x3] =	wrdreg s5  }
0xaa: {  	[dreg:$0x4] =	wrdreg $0xC0  }
0xab: {  	_ =	task [dreg:s7], $0x5FFFF  }
0xac: {  	[dreg:$0x1] =	wrdreg $0xFFFFFFFF  }
0xad: {  	[dreg:$0x0] =	wrdreg $0x60  }
0xae: {  	[dreg:$0x2] =	wrdreg s24  }
0xaf: {  	[dreg:$0x3] =	wrdreg s2  }
0xb0: {  	[dreg:$0x4] =	wrdreg $0x104800  }
0xb1: {  	[dreg:$0x5] =	wrdreg $0x9  }
0xb2: {  	_ =	task.clear_ibuf [dreg:s7], $0x6FFFF;
	_ =	strace $0x90000046  }
0xb3: {  	s29 =	simm.s32 $0x9;
	_ =	strace $0x80000048  }
0xb4: {  	_ =	swait.ge [sflag:s29], $0x1  }
0xb5: {  	[sflag:s29] =	ssyncadd.s32 $0xFFFFFFFF  }
0xb6: {  	_ =	strace $0x90000048  }
0xb7: {  	_ =	sfence  }
0xb8: {  	s30 =	sld [smem:$0x0];
	_ =	sdelay $0x2  }
0xb9: {  	s31 =	sshll.u32 s1, $0xD;
	s1 =	sshrl.u32 s1, $0x2  }
0xba: {  	s3 =	sand.u32 $0x4000, s31;
	s1 =	sadd.s32 s1, s30  }
0xbb: {  	s0 =	sor.u32 s3, s0;
	s1 =	sshll.u32 s1, $0x11  }
0xbc: {  	s0 =	sor.u32 s1, s0  }
0xbd: {  	s0 =	sadd.s32 $0x8F2B, s0  }
0xbe: {  	[sflag:s0] =	ssyncadd.remote.s32 $0x1  }
0xbf: {  	_ =	sfence.sel $0xFFFF  }
0xc0: {  	[dreg:$0x0] =	wrdreg $0xFFFFFFFF;
	(pc) =	sbr.abs _section_cstart, $3  }
0xc1: {  	[dreg:$0x1] =	wrdreg $0xFFFFFFFF  }
0xc2: {  	_ =	task.clear_ibuf [dreg:s7], $0x2FFFF;
	_ =	strace $0x9FFFFFFF  }
0xc3: {  	(tm) =	ssettm $0x7FFFFFFF  }
tec
execute0_lowered:
.L_overlay_start_1:
0x0: {  	(tag) =	ssettag $0x1  }
0x1: {  	s4 =	rddreg [dreg:$0x0];
	s1 =	srdreg.scid  }
0x2: {  	s5 =	rddreg [dreg:$0x1];
	s0 =	stileid.u32  }
0x3: {  	s2 =	rddreg [dreg:$0x2];
	s3 =	simm.s32 $0x0;
	s12 =	simm.s32 $0x480  }
0x4: {  	s13 =	simm.s32 $0x1;
	s6 =	sand.u32 $0x1, s1;
	s1 =	rddreg [dreg:$0x3]  }
0x5: {  	s14 =	simm.s32 $0x0;
	s7 =	sshll.u32 s0, $0xB;
	[smem:$0x7FF] =	sst s3  }
0x6: {  	s9 =	sshll.u32 s0, $0x12;
	s11 =	sshll.u32 s0, $0xC;
	s30 =	sshll.u32 s0, $0x9  }
0x7: {  	s31 =	sshll.u32 s0, $0x6;
	s8 =	sshll.u32 s6, $0xA;
	_ =	strace $0x80000047  }
0x8: {  	s28 =	ssub.s32 $0x2, s6;
	s9 =	sadd.s32 s9, s4;
	s29 =	sadd.s32 s11, s2  }
0x9: {  	s6 =	sshll.u32 s6, $0x11;
	s11 =	simm.s32 $0x2;
	s7 =	sor.u32 s8, s7  }
0xa: {  	s10 =	sshrl.u32 s28, $0x1;
	s9 =	sadd.s32 s6, s9;
	s7 =	sshrl.u32 s7, $0x3  }
0xb: {  	s8 =	ssub.s32 s28, s10;
	s10 =	simm.s32 $0x3;
	s7 =	sadd.s32 s7, s4  }
0xc: {  	s4 =	sadd.s32 s5, s30;
	s5 =	sor.u32 $0x1C02, s31;
	s6 =	sadd.s32 $0x400, s7  }
0xd: {  	s7 =	smax.u32 s8, $0x1;
	s8 =	sadd.s32 $0x1400, s9;
	s9 =	sshrl.u32 s29, $0x3  }
.LBB2_1:
0xe: {  	[spmem:s9], [sflag:s5] =	dma.local [hbm:s4], $0x200  }
0xf: {  	[tilespmem:s3], [sflag:$0x3] =	stream.linear.gather [hbm4b:s6+s3], $0x400, $0x38;
	[tilespmem:$0x11480] =	vst v63  }
0x10: {  	_ =	swait.ge [sflag:s10], $0x400  }
0x11: {  	[sflag:s10] =	ssyncset.done $0x0  }
0x12: {  	[sflag:s10] =	ssyncadd.s32 $0xFFFFFC00  }
0x13: {  	_ =	swait.ge [sflag:s11], $0x200  }
0x14: {  	[sflag:s11] =	ssyncset.done $0x0  }
0x15: {  	[sflag:s11] =	ssyncadd.s32 $0xFFFFFE00  }
0x16: {  	[bflag:$0x0] =	sbarrier.arrive $0xFFFF  }
0x17: {  	[tilespmem:s12], [sflag:$0x3] =	stream.linear.gather [spmem:s2], $0x10000, $0x38;
	[tilespmem:$0x11480] =	vst v63  }
0x18: {  	_ =	swait.ge [sflag:s10], $0x10000  }
0x19: {  	[sflag:s10] =	ssyncset.done $0x0  }
0x1a: {  	[sflag:s10] =	ssyncadd.s32 $0xFFFF0000  }
0x1b: {  	v0 =	vld [tilespmem:s3+$0x0];
	_ =	sdelay $0x4  }
0x1c: {  	(v2sf) =	vpush v0, $0x0;
	_ =	sdelay $0xe  }
0x1d: {  	s15 =	spop (v2sf)  }
0x1e: {  	s19 =	sadd.s32 $0x0, s8;
	s16 =	sshll.u32 s15, $0x8  }
0x1f: {  	s28 =	sadd.s32 $0x20, s19;
	s30 =	sadd.s32 $0x40, s19;
	s16 =	sand.u32 $0xFF00, s16  }
0x20: {  	s17 =	sand.u32 $0xFF00, s15;
	s18 =	sshrl.u32 s15, $0x8;
	s16 =	sadd.s32 $0x480, s16  }
0x21: {  	[hbm4b:s19+s3] =	stream.linear.scatter [tilespmem:s16], [sflag:$0x1], $0x100, $0x38;
	[tilespmem:$0x11480] =	vst v63  }
0x22: {  	s29 =	sshrl.u32 s15, $0x10;
	s26 =	sand.u32 $0xFF00, s18;
	s17 =	sadd.s32 $0x480, s17  }
0x23: {  	[hbm4b:s28+s3] =	stream.linear.scatter [tilespmem:s17], [sflag:$0x1], $0x100, $0x38;
	[tilespmem:$0x11480] =	vst v63  }
0x24: {  	s15 =	simm.s32 $0x80;
	s31 =	sand.u32 $0xFF00, s29;
	s16 =	sadd.s32 $0x480, s26  }
0x25: {  	[hbm4b:s30+s3] =	stream.linear.scatter [tilespmem:s16], [sflag:$0x1], $0x100, $0x38;
	[tilespmem:$0x11480] =	vst v63  }
0x26: {  	s18 =	sadd.s32 $0x480, s31;
	s17 =	sadd.s32 $0x60, s19;
	s16 =	simm.s32 $0x1  }
.LBB2_2:
0x27: {  	[hbm4b:s17+s3] =	stream.linear.scatter [tilespmem:s18], [sflag:$0x1], $0x100, $0x38;
	[tilespmem:$0x11480] =	vst v63  }
0x28: {  	p0 =	sne.s32 s15, $0x1FF80;
	s17 =	smov.u32 s15;
	s15 =	sadd.s32 $0x80, s15;
	v0 =	vld [tilespmem:s16+$0x0]  }
0x29: {  	_ =	sdelay $0x3  }
0x2a: {  	(v2sf) =	vpush v0, $0x0;
	_ =	sdelay $0xe  }
0x2b: {  	s18 =	spop (v2sf)  }
0x2c: {  	s19 =	sshll.u32 s18, $0x8;
	s20 =	sand.u32 $0xFF00, s18;
	s21 =	sshrl.u32 s18, $0x8  }
0x2d: {  	s18 =	sshrl.u32 s18, $0x10;
	s19 =	sand.u32 $0xFF00, s19;
	s21 =	sand.u32 $0xFF00, s21  }
0x2e: {  	s17 =	sadd.s32 s17, s8;
	s18 =	sand.u32 $0xFF00, s18;
	s19 =	sadd.s32 $0x480, s19  }
0x2f: {  	[hbm4b:s17+s3] =	stream.linear.scatter [tilespmem:s19], [sflag:$0x1], $0x100, $0x38;
	[tilespmem:$0x11480] =	vst v63  }
.Ltmp0:
0x30: {  	s20 =	sadd.s32 $0x480, s20;
	s19 =	sadd.s32 $0x20, s17;
	(pc) =	sbr.rel @p0 .LBB2_2-.Ltmp0, $4  }
0x31: {  	[hbm4b:s19+s3] =	stream.linear.scatter [tilespmem:s20], [sflag:$0x1], $0x100, $0x38;
	[tilespmem:$0x11480] =	vst v63  }
0x32: {  	s19 =	sadd.s32 $0x40, s17;
	s20 =	sadd.s32 $0x480, s21  }
0x33: {  	[hbm4b:s19+s3] =	stream.linear.scatter [tilespmem:s20], [sflag:$0x1], $0x100, $0x38;
	[tilespmem:$0x11480] =	vst v63  }
0x34: {  	s16 =	sadd.s32 $0x1, s16;
	s18 =	sadd.s32 $0x480, s18;
	s17 =	sadd.s32 $0x60, s17  }
0x35: {  	[hbm4b:s17+s3] =	stream.linear.scatter [tilespmem:s18], [sflag:$0x1], $0x100, $0x38;
	[tilespmem:$0x11480] =	vst v63  }
0x36: {  	_ =	swait.ge [sflag:s13], $0x10000  }
0x37: {  	[sflag:s13] =	ssyncset.done $0x0  }
0x38: {  	[sflag:s13] =	ssyncadd.s32 $0xFFFF0000  }
0x39: {  	_ =	swait.ge [sflag:s13], $0x10000  }
0x3a: {  	[sflag:s13] =	ssyncset.done $0x0  }
0x3b: {  	[sflag:s13] =	ssyncadd.s32 $0xFFFF0000  }
0x3c: {  	_ =	swait.ge [sflag:s13], $0x10000  }
0x3d: {  	[sflag:s13] =	ssyncset.done $0x0  }
0x3e: {  	[sflag:s13] =	ssyncadd.s32 $0xFFFF0000  }
0x3f: {  	_ =	swait.ge [sflag:s13], $0x10000  }
0x40: {  	[sflag:s13] =	ssyncset.done $0x0  }
0x41: {  	[sflag:s13] =	ssyncadd.s32 $0xFFFF0000  }
0x42: {  	_ =	swait.ge [sflag:s13], $0x10000  }
0x43: {  	[sflag:s13] =	ssyncset.done $0x0  }
0x44: {  	[sflag:s13] =	ssyncadd.s32 $0xFFFF0000  }
0x45: {  	_ =	swait.ge [sflag:s13], $0x10000  }
0x46: {  	[sflag:s13] =	ssyncset.done $0x0  }
0x47: {  	[sflag:s13] =	ssyncadd.s32 $0xFFFF0000  }
0x48: {  	_ =	swait.ge [sflag:s13], $0x10000  }
0x49: {  	[sflag:s13] =	ssyncset.done $0x0  }
0x4a: {  	[sflag:s13] =	ssyncadd.s32 $0xFFFF0000  }
0x4b: {  	_ =	swait.ge [sflag:s13], $0x10000  }
0x4c: {  	[sflag:s13] =	ssyncset.done $0x0  }
0x4d: {  	[sflag:s13] =	ssyncadd.s32 $0xFFFF0000  }
0x4e: {  	_ =	swait.ge [sflag:s13], $0x10000  }
0x4f: {  	[sflag:s13] =	ssyncset.done $0x0  }
0x50: {  	[sflag:s13] =	ssyncadd.s32 $0xFFFF0000  }
0x51: {  	_ =	swait.ge [sflag:s13], $0x10000  }
0x52: {  	[sflag:s13] =	ssyncset.done $0x0  }
0x53: {  	[sflag:s13] =	ssyncadd.s32 $0xFFFF0000  }
0x54: {  	_ =	swait.ge [sflag:s13], $0x10000  }
0x55: {  	[sflag:s13] =	ssyncset.done $0x0  }
0x56: {  	[sflag:s13] =	ssyncadd.s32 $0xFFFF0000  }
0x57: {  	_ =	swait.ge [sflag:s13], $0x10000  }
0x58: {  	[sflag:s13] =	ssyncset.done $0x0  }
0x59: {  	[sflag:s13] =	ssyncadd.s32 $0xFFFF0000  }
0x5a: {  	_ =	swait.ge [sflag:s13], $0x10000  }
0x5b: {  	[sflag:s13] =	ssyncset.done $0x0  }
0x5c: {  	[sflag:s13] =	ssyncadd.s32 $0xFFFF0000  }
0x5d: {  	_ =	swait.ge [sflag:s13], $0x10000  }
0x5e: {  	[sflag:s13] =	ssyncset.done $0x0  }
0x5f: {  	s14 =	sadd.s32 $0x1, s14;
	[sflag:s13] =	ssyncadd.s32 $0xFFFF0000  }
0x60: {  	p0 =	sne.s32 s14, s7;
	_ =	swait.ge [sflag:s13], $0x10000  }
.Ltmp1:
0x61: {  	[sflag:s13] =	ssyncset.done $0x0;
	(pc) =	sbr.rel @p0 .LBB2_1-.Ltmp1, $4  }
0x62: {  	[sflag:s13] =	ssyncadd.s32 $0xFFFF0000  }
0x63: {  	_ =	swait.ge [sflag:s13], $0x10000  }
0x64: {  	[sflag:s13] =	ssyncset.done $0x0  }
0x65: {  	[sflag:s13] =	ssyncadd.s32 $0xFFFF0000  }
0x66: {  	_ =	sfence.sel $0x180000  }
0x67: {  	[bflag:$0x0] =	sbarrier.arrive $0xFFFF  }
0x68: {  	p0 =	sne.s32 s0, $0x0;
	_ =	strace $0x90000047  }
0x69: {  	s0 =	sadd.s32 @!p0 $0x100000, s1;
	[bflag:$0x2] =	sbarrier.arrive $0xFFFF  }
0x6a: {  	[sflag:s0] =	ssyncadd.tile.s32 @!p0 $0x1;
	_ =	shalt  }
.Lfunc_end2:
_tile_overlayer_lowered:
.L_overlay_start_2:
0x6b: {  	(tag) =	ssettag $0x2  }
0x6c: {  	s0 =	rddreg [dreg:$0x0];
	s2 =	stileid.u32  }
0x6d: {  	s1 =	rddreg [dreg:$0x1];
	p0 =	sne.s32 s2, $0x0  }
0x6e: {  	s3 =	rddreg [dreg:$0x2];
	[bflag:$0x3] =	sbarrier.arrive $0xFFFF;
	s2 =	simm.s32 @!p0 $0x1C03  }
0x6f: {  	[timem:s3], [sflag:s2] =	dma.local @!p0 [hbm:s0], s1  }
0x70: {  	s0 =	simm.s32 @!p0 $0x3  }
0x71: {  	_ =	swait.ge @!p0 [sflag:s0], s1  }
0x72: {  	s1 =	ssub.s32 @!p0 $0x0, s1;
	[sflag:s0] =	ssyncset.done @!p0 $0x0  }
0x73: {  	[sflag:s0] =	ssyncadd.s32 @!p0 s1  }
0x74: {  	[bflag:$0x3] =	sbarrier.arrive $0xFFFF  }
0x75: {  	_ =	shalt  }

</sc_bundles>
